<compile_context>
chip_gen: v7x
topology: tpu7x:2x2x1
jax: 0.10.2.dev20260603
libtpu: 0.0.44.dev20260713+nightly
codegen_flags: <defaults>
</compile_context>

<pallas_src>
import jax
import jax.numpy as jnp
from jax import lax
from jax.experimental import pallas as pl
from jax.experimental.pallas import tpu as pltpu
from jax.experimental.pallas import tpu_sc as plsc

D = 4096
NC = 2
NS = 16
NW = NC * NS

CHUNK = 8


def _gather_kernel(B, b_per_w):
    n_chunks = b_per_w // CHUNK
    mesh = plsc.VectorSubcoreMesh(
        core_axis_name="c", subcore_axis_name="s", num_cores=NC, num_subcores=NS
    )

    def body(pos_hbm, pe_hbm, out_hbm, idx_v, rows0, rows1, rows2, sem0, sem1, sem2):
        wid = lax.axis_index("s") * NC + lax.axis_index("c")
        base = wid * b_per_w
        pltpu.sync_copy(pos_hbm.at[pl.ds(base, b_per_w)], idx_v)

        bufs = (rows0, rows1, rows2)
        sems = (sem0, sem1, sem2)

        def start_gather(g, slot):
            pltpu.async_copy(
                pe_hbm.at[idx_v.at[pl.ds(g * CHUNK, CHUNK)]], bufs[slot], sems[slot]
            )

        def wait_gather(g, slot):
            pltpu.make_async_copy(
                pe_hbm.at[idx_v.at[pl.ds(g * CHUNK, CHUNK)]], bufs[slot], sems[slot]
            ).wait()

        start_gather(0, 0)
        start_gather(1, 1)

        def step(g, _):
            def run(slot):
                wait_gather(g, slot)

                @pl.when(g + 2 < n_chunks)
                def _():
                    start_gather(g + 2, (slot + 2) % 3)

                pltpu.sync_copy(bufs[slot], out_hbm.at[pl.ds(base + g * CHUNK, CHUNK)])

            lax.switch(g % 3, [lambda: run(0), lambda: run(1), lambda: run(2)])
            return _

        lax.fori_loop(0, n_chunks, step, 0)

    return pl.kernel(
        body,
        out_type=jax.ShapeDtypeStruct((B, D), jnp.float32),
        mesh=mesh,
        scratch_types=[
            pltpu.VMEM((b_per_w,), jnp.int32),
            pltpu.VMEM((CHUNK, D), jnp.float32),
            pltpu.VMEM((CHUNK, D), jnp.float32),
            pltpu.VMEM((CHUNK, D), jnp.float32),
            pltpu.SemaphoreType.DMA,
            pltpu.SemaphoreType.DMA,
            pltpu.SemaphoreType.DMA,
        ],
    )


def kernel(pos, pe):
    batch, seq = pos.shape
    B = batch * seq
    flat_pos = pos.reshape(B).astype(jnp.int32)
    out = _gather_kernel(B, B // NW)(flat_pos, pe)
    return out.reshape(batch, seq, D)

# --- scband reference (transcript-rebuilt; emitter-appended) ---
"""Pipeline reference for scband-sinusoidal-positional-embedding-79053168050850 (READ-ONLY COPY).

The authoritative reference and input builder live on the scoring server;
editing this copy changes nothing except your own understanding.
"""

import jax, jax.numpy as jnp
import numpy as np

MAX_LEN = 8192
EMB_DIM = 4096

def _build_pe(max_len, emb_dim):
    pos = np.arange(max_len, dtype=np.float32)
    denominator = np.exp(-np.arange(0, emb_dim, 2, dtype=np.float32) * np.log(10000.0) / emb_dim)
    pe = np.zeros((max_len, emb_dim), dtype=np.float32)
    pe[:, 0::2] = np.sin(pos[:, None] * denominator[None, :])
    pe[:, 1::2] = np.cos(pos[:, None] * denominator[None, :])
    return jnp.asarray(pe)

def setup_inputs(seed: int = 0) -> dict:
    key = jax.random.key(seed)
    pos = jax.random.randint(key, (4, 8192), 0, MAX_LEN, dtype=jnp.int64 if jax.config.jax_enable_x64 else jnp.int32)
    pe = _build_pe(MAX_LEN, EMB_DIM)
    return {"pos": pos, "pe": pe}

def reference(pos, pe):
    # PE(pos, 2i) = sin(pos / 10000^{2i/D}); PE(pos, 2i+1) = cos(...)
    # forward is a row gather from the precomputed table
    return jnp.take(pe, pos, axis=0)

if __name__ == "__main__":
    import jax
    _d = setup_inputs()
    print(jax.jit(kernel)(*tuple(_d.values())))

</pallas_src>

<mosaic_0001>
#map = affine_map<(d0, d1) -> (0)>
#map1 = affine_map<(d0, d1) -> (0, 0)>
module attributes {stable_mosaic.version = 14 : i64} {
  func.func @body(%arg0: i32, %arg1: i32, %arg2: memref<32768xi32, #tpu.memory_space<hbm>>, %arg3: memref<8192x4096xf32, #tpu.memory_space<hbm>>, %arg4: memref<32768x4096xf32, #tpu.memory_space<hbm>>, %arg5: memref<1024xi32, #tpu.memory_space<vmem>>, %arg6: memref<8x4096xf32, #tpu.memory_space<vmem>>, %arg7: memref<8x4096xf32, #tpu.memory_space<vmem>>, %arg8: memref<8x4096xf32, #tpu.memory_space<vmem>>, %arg9: memref<!tpu.dma_semaphore, #tpu.memory_space<semaphore_mem>>, %arg10: memref<!tpu.dma_semaphore, #tpu.memory_space<semaphore_mem>>, %arg11: memref<!tpu.dma_semaphore, #tpu.memory_space<semaphore_mem>>) attributes {dimension_semantics = [#tpu.dimension_semantics<core_parallel>, #tpu.dimension_semantics<subcore_parallel>], iteration_bounds = array<i64: 2, 16>, scalar_prefetch = 0 : i64, scratch_operands = 7 : i64, tpu.core_type = #tpu.core_type<sc_vector_subcore>, window_params = [{transform_indices = #map}, {transform_indices = #map1}, {transform_indices = #map1}]} {
    %mul3A = arith.constant 2 : i32
    %mul3A_0 = arith.muli %arg1, %mul3A : i32
    %add3A = arith.addi %mul3A_0, %arg0 : i32
    %mul3A_1 = arith.constant 1024 : i32
    %mul3A_2 = arith.muli %add3A, %mul3A_1 : i32
    "tpu.region"() ({
      %run_scoped3A = tpu.sem_alloc : memref<!tpu.dma_semaphore, #tpu.memory_space<semaphore_mem>>
      %dma_start3A_17 = tpu.memref_slice %arg2[%mul3A_2] : memref<32768xi32, #tpu.memory_space<hbm>> -> memref<1024xi32, #tpu.memory_space<hbm>>
      %dma_start3A_18 = tpu.memref_slice %arg2[%mul3A_2] : memref<32768xi32, #tpu.memory_space<hbm>> -> memref<1024xi32, #tpu.memory_space<hbm>>
      tpu.enqueue_dma source(%dma_start3A_18 : memref<1024xi32, #tpu.memory_space<hbm>>) target(%arg5 : memref<1024xi32, #tpu.memory_space<vmem>>) target_semaphore(%run_scoped3A : memref<!tpu.dma_semaphore, #tpu.memory_space<semaphore_mem>>)
      %dma_wait3A = tpu.memref_slice %arg2[%mul3A_2] : memref<32768xi32, #tpu.memory_space<hbm>> -> memref<1024xi32, #tpu.memory_space<hbm>>
      %dma_wait3A_19 = tpu.memref_slice %arg2[%mul3A_2] : memref<32768xi32, #tpu.memory_space<hbm>> -> memref<1024xi32, #tpu.memory_space<hbm>>
      tpu.wait_dma2 semaphore(%run_scoped3A : memref<!tpu.dma_semaphore, #tpu.memory_space<semaphore_mem>>) src(%dma_wait3A_19 : memref<1024xi32, #tpu.memory_space<hbm>>) dst(%arg5 : memref<1024xi32, #tpu.memory_space<vmem>>)
      tpu.yield
    }) : () -> ()
    %dma_start3A = arith.constant 0 : i32
    %dma_start3A_3 = tpu.memref_slice %arg5[%dma_start3A] : memref<1024xi32, #tpu.memory_space<vmem>> -> memref<8xi32, #tpu.memory_space<vmem>>
    %dma_start3A_4 = arith.constant 0 : i32
    %dma_start3A_5 = arith.constant 0 : i32
    %dma_start3A_6 = tpu.memref_slice %arg3[%dma_start3A_4, %dma_start3A_5] : memref<8192x4096xf32, #tpu.memory_space<hbm>> -> memref<8192x4096xf32, #tpu.memory_space<hbm>>
    tpu.enqueue_indirect_dma source(%dma_start3A_6 : memref<8192x4096xf32, #tpu.memory_space<hbm>>) target(%arg6 : memref<8x4096xf32, #tpu.memory_space<vmem>>) offsets(%dma_start3A_3 : memref<8xi32, #tpu.memory_space<vmem>>) semaphore(%arg9 : memref<!tpu.dma_semaphore, #tpu.memory_space<semaphore_mem>>)
    %dma_start3A_7 = arith.constant 8 : i32
    %dma_start3A_8 = tpu.memref_slice %arg5[%dma_start3A_7] : memref<1024xi32, #tpu.memory_space<vmem>> -> memref<8xi32, #tpu.memory_space<vmem>>
    %dma_start3A_9 = arith.constant 0 : i32
    %dma_start3A_10 = arith.constant 0 : i32
    %dma_start3A_11 = tpu.memref_slice %arg3[%dma_start3A_9, %dma_start3A_10] : memref<8192x4096xf32, #tpu.memory_space<hbm>> -> memref<8192x4096xf32, #tpu.memory_space<hbm>>
    tpu.enqueue_indirect_dma source(%dma_start3A_11 : memref<8192x4096xf32, #tpu.memory_space<hbm>>) target(%arg7 : memref<8x4096xf32, #tpu.memory_space<vmem>>) offsets(%dma_start3A_8 : memref<8xi32, #tpu.memory_space<vmem>>) semaphore(%arg10 : memref<!tpu.dma_semaphore, #tpu.memory_space<semaphore_mem>>)
    %scan3A = arith.constant 0 : i32
    %scan3A_12 = arith.constant 0 : i32
    %scan3A_13 = arith.constant 128 : i32
    %scan3A_14 = arith.addi %scan3A_12, %scan3A_13 : i32
    %scan3A_15 = arith.constant 1 : i32
    scf.for %scan3A_17 = %scan3A_12 to %scan3A_14 step %scan3A_15  : i32 {
      %jit3A = arith.constant 3 : i32
      %eq3A = arith.constant 0 : i32
      %eq3A_18 = arith.cmpi eq, %jit3A, %eq3A : i32
      %jit3A_19 = arith.constant 1 : i32
      %select_n3A = arith.select %eq3A_18, %jit3A_19, %jit3A : i32
      %rem3A = arith.remsi %scan3A_17, %select_n3A : i32
      %ne3A = arith.constant 0 : i32
      %ne3A_20 = arith.cmpi ne, %rem3A, %ne3A : i32
      %lt3A = arith.constant 0 : i32
      %lt3A_21 = arith.cmpi slt, %rem3A, %lt3A : i32
      %lt3A_22 = arith.constant 0 : i32
      %lt3A_23 = arith.cmpi slt, %select_n3A, %lt3A_22 : i32
      %ne3A_24 = arith.xori %lt3A_21, %lt3A_23 : i1
      %and3A = arith.andi %ne3A_24, %ne3A_20 : i1
      %add3A_25 = arith.addi %rem3A, %select_n3A : i32
      %select_n3A_26 = arith.select %and3A, %add3A_25, %rem3A : i32
      %clamp3A = arith.constant 0 : i32
      %clamp3A_27 = arith.constant 2 : i32
      %clamp3A_28 = arith.maxsi %select_n3A_26, %clamp3A : i32
      %clamp3A_29 = arith.minsi %clamp3A_28, %clamp3A_27 : i32
      %cond3A = arith.constant 0 : i32
      %cond3A_30 = arith.cmpi ne, %clamp3A_29, %cond3A : i32
      scf.if %cond3A_30 {
        %cond3A_31 = arith.constant 1 : i32
        %cond3A_32 = arith.subi %clamp3A_29, %cond3A_31 : i32
        %cond3A_33 = arith.constant 0 : i32
        %cond3A_34 = arith.cmpi ne, %cond3A_32, %cond3A_33 : i32
        scf.if %cond3A_34 {
          %mul3A_35 = arith.constant 8 : i32
          %mul3A_36 = arith.muli %scan3A_17, %mul3A_35 : i32
          %dma_wait3A = tpu.memref_slice %arg5[%mul3A_36] : memref<1024xi32, #tpu.memory_space<vmem>> -> memref<8xi32, #tpu.memory_space<vmem>>
          %dma_wait3A_37 = arith.constant 0 : i32
          %dma_wait3A_38 = arith.constant 0 : i32
          %dma_wait3A_39 = tpu.memref_slice %arg3[%dma_wait3A_37, %dma_wait3A_38] : memref<8192x4096xf32, #tpu.memory_space<hbm>> -> memref<8192x4096xf32, #tpu.memory_space<hbm>>
          tpu.wait_indirect_dma semaphore(%arg11 : memref<!tpu.dma_semaphore, #tpu.memory_space<semaphore_mem>>) src(%dma_wait3A_39 : memref<8192x4096xf32, #tpu.memory_space<hbm>>) dst(%arg8 : memref<8x4096xf32, #tpu.memory_space<vmem>>)
          %add3A_40 = arith.constant 2 : i32
          %add3A_41 = arith.addi %scan3A_17, %add3A_40 : i32
          %lt3A_42 = arith.constant 128 : i32
          %lt3A_43 = arith.cmpi slt, %add3A_41, %lt3A_42 : i32
          %convert_element_type3A = arith.extui %lt3A_43 : i1 to i32
          %cond3A_44 = arith.constant 0 : i32
          %cond3A_45 = arith.cmpi ne, %convert_element_type3A, %cond3A_44 : i32
          scf.if %cond3A_45 {
            %add3A_49 = arith.constant 2 : i32
            %add3A_50 = arith.addi %scan3A_17, %add3A_49 : i32
            %mul3A_51 = arith.constant 8 : i32
            %mul3A_52 = arith.muli %add3A_50, %mul3A_51 : i32
            %dma_start3A_53 = tpu.memref_slice %arg5[%mul3A_52] : memref<1024xi32, #tpu.memory_space<vmem>> -> memref<8xi32, #tpu.memory_space<vmem>>
            %dma_start3A_54 = arith.constant 0 : i32
            %dma_start3A_55 = arith.constant 0 : i32
            %dma_start3A_56 = tpu.memref_slice %arg3[%dma_start3A_54, %dma_start3A_55] : memref<8192x4096xf32, #tpu.memory_space<hbm>> -> memref<8192x4096xf32, #tpu.memory_space<hbm>>
            tpu.enqueue_indirect_dma source(%dma_start3A_56 : memref<8192x4096xf32, #tpu.memory_space<hbm>>) target(%arg7 : memref<8x4096xf32, #tpu.memory_space<vmem>>) offsets(%dma_start3A_53 : memref<8xi32, #tpu.memory_space<vmem>>) semaphore(%arg10 : memref<!tpu.dma_semaphore, #tpu.memory_space<semaphore_mem>>)
          } else {
          }
          %mul3A_46 = arith.constant 8 : i32
          %mul3A_47 = arith.muli %scan3A_17, %mul3A_46 : i32
          %add3A_48 = arith.addi %mul3A_2, %mul3A_47 : i32
          "tpu.region"() ({
            %run_scoped3A = tpu.sem_alloc : memref<!tpu.dma_semaphore, #tpu.memory_space<semaphore_mem>>
            %dma_start3A_49 = arith.constant 0 : i32
            %dma_start3A_50 = tpu.memref_slice %arg4[%add3A_48, %dma_start3A_49] : memref<32768x4096xf32, #tpu.memory_space<hbm>> -> memref<8x4096xf32, #tpu.memory_space<hbm>>
            %dma_start3A_51 = arith.constant 0 : i32
            %dma_start3A_52 = tpu.memref_slice %arg4[%add3A_48, %dma_start3A_51] : memref<32768x4096xf32, #tpu.memory_space<hbm>> -> memref<8x4096xf32, #tpu.memory_space<hbm>>
            tpu.enqueue_dma source(%arg8 : memref<8x4096xf32, #tpu.memory_space<vmem>>) target(%dma_start3A_52 : memref<8x4096xf32, #tpu.memory_space<hbm>>) target_semaphore(%run_scoped3A : memref<!tpu.dma_semaphore, #tpu.memory_space<semaphore_mem>>)
            %dma_wait3A_53 = arith.constant 0 : i32
            %dma_wait3A_54 = tpu.memref_slice %arg4[%add3A_48, %dma_wait3A_53] : memref<32768x4096xf32, #tpu.memory_space<hbm>> -> memref<8x4096xf32, #tpu.memory_space<hbm>>
            %dma_wait3A_55 = arith.constant 0 : i32
            %dma_wait3A_56 = tpu.memref_slice %arg4[%add3A_48, %dma_wait3A_55] : memref<32768x4096xf32, #tpu.memory_space<hbm>> -> memref<8x4096xf32, #tpu.memory_space<hbm>>
            tpu.wait_dma2 semaphore(%run_scoped3A : memref<!tpu.dma_semaphore, #tpu.memory_space<semaphore_mem>>) src(%arg8 : memref<8x4096xf32, #tpu.memory_space<vmem>>) dst(%dma_wait3A_56 : memref<8x4096xf32, #tpu.memory_space<hbm>>)
            tpu.yield
          }) : () -> ()
        } else {
          %mul3A_35 = arith.constant 8 : i32
          %mul3A_36 = arith.muli %scan3A_17, %mul3A_35 : i32
          %dma_wait3A = tpu.memref_slice %arg5[%mul3A_36] : memref<1024xi32, #tpu.memory_space<vmem>> -> memref<8xi32, #tpu.memory_space<vmem>>
          %dma_wait3A_37 = arith.constant 0 : i32
          %dma_wait3A_38 = arith.constant 0 : i32
          %dma_wait3A_39 = tpu.memref_slice %arg3[%dma_wait3A_37, %dma_wait3A_38] : memref<8192x4096xf32, #tpu.memory_space<hbm>> -> memref<8192x4096xf32, #tpu.memory_space<hbm>>
          tpu.wait_indirect_dma semaphore(%arg10 : memref<!tpu.dma_semaphore, #tpu.memory_space<semaphore_mem>>) src(%dma_wait3A_39 : memref<8192x4096xf32, #tpu.memory_space<hbm>>) dst(%arg7 : memref<8x4096xf32, #tpu.memory_space<vmem>>)
          %add3A_40 = arith.constant 2 : i32
          %add3A_41 = arith.addi %scan3A_17, %add3A_40 : i32
          %lt3A_42 = arith.constant 128 : i32
          %lt3A_43 = arith.cmpi slt, %add3A_41, %lt3A_42 : i32
          %convert_element_type3A = arith.extui %lt3A_43 : i1 to i32
          %cond3A_44 = arith.constant 0 : i32
          %cond3A_45 = arith.cmpi ne, %convert_element_type3A, %cond3A_44 : i32
          scf.if %cond3A_45 {
            %add3A_49 = arith.constant 2 : i32
            %add3A_50 = arith.addi %scan3A_17, %add3A_49 : i32
            %mul3A_51 = arith.constant 8 : i32
            %mul3A_52 = arith.muli %add3A_50, %mul3A_51 : i32
            %dma_start3A_53 = tpu.memref_slice %arg5[%mul3A_52] : memref<1024xi32, #tpu.memory_space<vmem>> -> memref<8xi32, #tpu.memory_space<vmem>>
            %dma_start3A_54 = arith.constant 0 : i32
            %dma_start3A_55 = arith.constant 0 : i32
            %dma_start3A_56 = tpu.memref_slice %arg3[%dma_start3A_54, %dma_start3A_55] : memref<8192x4096xf32, #tpu.memory_space<hbm>> -> memref<8192x4096xf32, #tpu.memory_space<hbm>>
            tpu.enqueue_indirect_dma source(%dma_start3A_56 : memref<8192x4096xf32, #tpu.memory_space<hbm>>) target(%arg6 : memref<8x4096xf32, #tpu.memory_space<vmem>>) offsets(%dma_start3A_53 : memref<8xi32, #tpu.memory_space<vmem>>) semaphore(%arg9 : memref<!tpu.dma_semaphore, #tpu.memory_space<semaphore_mem>>)
          } else {
          }
          %mul3A_46 = arith.constant 8 : i32
          %mul3A_47 = arith.muli %scan3A_17, %mul3A_46 : i32
          %add3A_48 = arith.addi %mul3A_2, %mul3A_47 : i32
          "tpu.region"() ({
            %run_scoped3A = tpu.sem_alloc : memref<!tpu.dma_semaphore, #tpu.memory_space<semaphore_mem>>
            %dma_start3A_49 = arith.constant 0 : i32
            %dma_start3A_50 = tpu.memref_slice %arg4[%add3A_48, %dma_start3A_49] : memref<32768x4096xf32, #tpu.memory_space<hbm>> -> memref<8x4096xf32, #tpu.memory_space<hbm>>
            %dma_start3A_51 = arith.constant 0 : i32
            %dma_start3A_52 = tpu.memref_slice %arg4[%add3A_48, %dma_start3A_51] : memref<32768x4096xf32, #tpu.memory_space<hbm>> -> memref<8x4096xf32, #tpu.memory_space<hbm>>
            tpu.enqueue_dma source(%arg7 : memref<8x4096xf32, #tpu.memory_space<vmem>>) target(%dma_start3A_52 : memref<8x4096xf32, #tpu.memory_space<hbm>>) target_semaphore(%run_scoped3A : memref<!tpu.dma_semaphore, #tpu.memory_space<semaphore_mem>>)
            %dma_wait3A_53 = arith.constant 0 : i32
            %dma_wait3A_54 = tpu.memref_slice %arg4[%add3A_48, %dma_wait3A_53] : memref<32768x4096xf32, #tpu.memory_space<hbm>> -> memref<8x4096xf32, #tpu.memory_space<hbm>>
            %dma_wait3A_55 = arith.constant 0 : i32
            %dma_wait3A_56 = tpu.memref_slice %arg4[%add3A_48, %dma_wait3A_55] : memref<32768x4096xf32, #tpu.memory_space<hbm>> -> memref<8x4096xf32, #tpu.memory_space<hbm>>
            tpu.wait_dma2 semaphore(%run_scoped3A : memref<!tpu.dma_semaphore, #tpu.memory_space<semaphore_mem>>) src(%arg7 : memref<8x4096xf32, #tpu.memory_space<vmem>>) dst(%dma_wait3A_56 : memref<8x4096xf32, #tpu.memory_space<hbm>>)
            tpu.yield
          }) : () -> ()
        }
      } else {
        %mul3A_31 = arith.constant 8 : i32
        %mul3A_32 = arith.muli %scan3A_17, %mul3A_31 : i32
        %dma_wait3A = tpu.memref_slice %arg5[%mul3A_32] : memref<1024xi32, #tpu.memory_space<vmem>> -> memref<8xi32, #tpu.memory_space<vmem>>
        %dma_wait3A_33 = arith.constant 0 : i32
        %dma_wait3A_34 = arith.constant 0 : i32
        %dma_wait3A_35 = tpu.memref_slice %arg3[%dma_wait3A_33, %dma_wait3A_34] : memref<8192x4096xf32, #tpu.memory_space<hbm>> -> memref<8192x4096xf32, #tpu.memory_space<hbm>>
        tpu.wait_indirect_dma semaphore(%arg9 : memref<!tpu.dma_semaphore, #tpu.memory_space<semaphore_mem>>) src(%dma_wait3A_35 : memref<8192x4096xf32, #tpu.memory_space<hbm>>) dst(%arg6 : memref<8x4096xf32, #tpu.memory_space<vmem>>)
        %add3A_36 = arith.constant 2 : i32
        %add3A_37 = arith.addi %scan3A_17, %add3A_36 : i32
        %lt3A_38 = arith.constant 128 : i32
        %lt3A_39 = arith.cmpi slt, %add3A_37, %lt3A_38 : i32
        %convert_element_type3A = arith.extui %lt3A_39 : i1 to i32
        %cond3A_40 = arith.constant 0 : i32
        %cond3A_41 = arith.cmpi ne, %convert_element_type3A, %cond3A_40 : i32
        scf.if %cond3A_41 {
          %add3A_45 = arith.constant 2 : i32
          %add3A_46 = arith.addi %scan3A_17, %add3A_45 : i32
          %mul3A_47 = arith.constant 8 : i32
          %mul3A_48 = arith.muli %add3A_46, %mul3A_47 : i32
          %dma_start3A_49 = tpu.memref_slice %arg5[%mul3A_48] : memref<1024xi32, #tpu.memory_space<vmem>> -> memref<8xi32, #tpu.memory_space<vmem>>
          %dma_start3A_50 = arith.constant 0 : i32
          %dma_start3A_51 = arith.constant 0 : i32
          %dma_start3A_52 = tpu.memref_slice %arg3[%dma_start3A_50, %dma_start3A_51] : memref<8192x4096xf32, #tpu.memory_space<hbm>> -> memref<8192x4096xf32, #tpu.memory_space<hbm>>
          tpu.enqueue_indirect_dma source(%dma_start3A_52 : memref<8192x4096xf32, #tpu.memory_space<hbm>>) target(%arg8 : memref<8x4096xf32, #tpu.memory_space<vmem>>) offsets(%dma_start3A_49 : memref<8xi32, #tpu.memory_space<vmem>>) semaphore(%arg11 : memref<!tpu.dma_semaphore, #tpu.memory_space<semaphore_mem>>)
        } else {
        }
        %mul3A_42 = arith.constant 8 : i32
        %mul3A_43 = arith.muli %scan3A_17, %mul3A_42 : i32
        %add3A_44 = arith.addi %mul3A_2, %mul3A_43 : i32
        "tpu.region"() ({
          %run_scoped3A = tpu.sem_alloc : memref<!tpu.dma_semaphore, #tpu.memory_space<semaphore_mem>>
          %dma_start3A_45 = arith.constant 0 : i32
          %dma_start3A_46 = tpu.memref_slice %arg4[%add3A_44, %dma_start3A_45] : memref<32768x4096xf32, #tpu.memory_space<hbm>> -> memref<8x4096xf32, #tpu.memory_space<hbm>>
          %dma_start3A_47 = arith.constant 0 : i32
          %dma_start3A_48 = tpu.memref_slice %arg4[%add3A_44, %dma_start3A_47] : memref<32768x4096xf32, #tpu.memory_space<hbm>> -> memref<8x4096xf32, #tpu.memory_space<hbm>>
          tpu.enqueue_dma source(%arg6 : memref<8x4096xf32, #tpu.memory_space<vmem>>) target(%dma_start3A_48 : memref<8x4096xf32, #tpu.memory_space<hbm>>) target_semaphore(%run_scoped3A : memref<!tpu.dma_semaphore, #tpu.memory_space<semaphore_mem>>)
          %dma_wait3A_49 = arith.constant 0 : i32
          %dma_wait3A_50 = tpu.memref_slice %arg4[%add3A_44, %dma_wait3A_49] : memref<32768x4096xf32, #tpu.memory_space<hbm>> -> memref<8x4096xf32, #tpu.memory_space<hbm>>
          %dma_wait3A_51 = arith.constant 0 : i32
          %dma_wait3A_52 = tpu.memref_slice %arg4[%add3A_44, %dma_wait3A_51] : memref<32768x4096xf32, #tpu.memory_space<hbm>> -> memref<8x4096xf32, #tpu.memory_space<hbm>>
          tpu.wait_dma2 semaphore(%run_scoped3A : memref<!tpu.dma_semaphore, #tpu.memory_space<semaphore_mem>>) src(%arg6 : memref<8x4096xf32, #tpu.memory_space<vmem>>) dst(%dma_wait3A_52 : memref<8x4096xf32, #tpu.memory_space<hbm>>)
          tpu.yield
        }) : () -> ()
      }
    }
    %scan3A_16 = arith.constant 128 : i32
    return
  }
}

</mosaic_0001>

<sc_bundles>
// kernel: kernel.3.cloned.1.call-start
scs
__scs_entry_jumppad:
0x0: {  	(pc) =	sbr.rel $0x88, $3  }
0x1: {  	(tag) =	ssettag $0x0;
	lr =	simm.s32 $0x1  }
0x2: {  	[smem:$0x3F9F] =	sst lr;
	_ =	strace $0xD0000000  }
0x3: {  	_ = 	snop  }
0x4: {  	_ = 	snop  }
0x5: {  	_ = 	snop  }
0x6: {  	_ = 	snop  }
0x7: {  	_ = 	snop  }
__scs_overlays_trampoline_lowered:
0x8: {  	[smem:$0x3FAE] =	sst s0  }
0x9: {  	[smem:$0x3FAF] =	sst s1  }
0xa: {  	[smem:$0x3FB0] =	sst s2  }
0xb: {  	[smem:$0x3FB1] =	sst s3  }
0xc: {  	[smem:$0x3FB2] =	sst s4  }
0xd: {  	[smem:$0x3FB3] =	sst s5  }
0xe: {  	[smem:$0x3FB4] =	sst s6  }
0xf: {  	[smem:$0x3FB5] =	sst s7  }
0x10: {  	[smem:$0x3FB6] =	sst s8  }
0x11: {  	[smem:$0x3FB7] =	sst s9;
	s0 =	simm.s32 @!p0 $0x0  }
0x12: {  	s1 =	sld [smem:$0x3F9D];
	s0 =	simm.s32 @p0 $0x1  }
0x13: {  	[smem:$0x3FB8] =	sst s0;
	s0 =	simm.s32 @!p1 $0x0  }
0x14: {  	s2 =	sld [smem:$0x3F9C];
	s0 =	simm.s32 @p1 $0x1  }
0x15: {  	[smem:$0x3FB9] =	sst s0;
	s0 =	simm.s32 @!p2 $0x0  }
0x16: {  	s3 =	sld [smem:$0x3FDB];
	s0 =	simm.s32 @p2 $0x1  }
0x17: {  	s4 =	simm.s32 $0x1BF5;
	[smem:$0x3FBB] =	sst s0  }
0x18: {  	s0 =	sld [smem:$0x3F9E];
	_ =	swait.ge [sflag:s4], $0x0  }
0x19: {  	s7 =	sld [smem:$0x3F9F]  }
0x1a: {  	s8 =	sadd.s32 $0xFFFFE003, lr  }
0x1b: {  	s9 =	sadd.s32 $0xFFFFFEF7, lr;
	s5 =	simm.s32 $0xFFFFFFFF;
	p2 =	slt.u32 s8, $0xFFFFF086  }
0x1c: {  	p1 =	slt.u32 s9, $0xF7A;
	s5 =	simm.s32 @!p2 $0x0  }
0x1d: {  	s5 =	simm.s32 @p1 $0x1;
	p0 =	seq.s32 s7, s2  }
0x1e: {  	s7 =	smul.u32 @!p0 $0xF7A, s2;
	p2 =	seq.s32 @!p0 s5, $0x0  }
0x1f: {  	s9 =	smul.u32 $0xF7A, s1;
	s8 =	simm.s32 @!p0 $0x1BF5;
	p2 =	por !p2, p0  }
0x20: {  	[sflag:s8] =	ssyncset.s32 @!p0 $0xFFFFF086;
	s6 =	sadd.s32 @!p0 s3, s7;
	s7 =	simm.s32 @!p0 $0x108  }
0x21: {  	s3 =	sadd.s32 s3, s9;
	s6 =	sadd.s32 @!p0 $0x88, s6;
	s7 =	simm.s32 @p2 $0x1082  }
0x22: {  	[simem:s7], [sflag:s8] =	dma.local @!p0 [hbm:s6], $0xF7A  }
0x23: {  	s9 =	sor.u32 $0xD0000000, s2;
	s6 =	simm.s32 $0x108;
	_ =	swait.ge @!p0 [sflag:s8], $0x0  }
0x24: {  	s3 =	sadd.s32 $0x88, s3;
	s6 =	simm.s32 @!p1 $0x1082;
	[sflag:s4] =	ssyncset.s32 $0xFFFFF086  }
0x25: {  	[simem:s6], [sflag:s4] =	dma.local [hbm:s3], $0xF7A  }
0x26: {  	[smem:$0x3F9F] =	sst s1;
	(tag) =	ssettag s2;
	_ =	strace s9  }
0x27: {  	s1 =	sld [smem:$0x3FAF]  }
0x28: {  	s2 =	sld [smem:$0x3FB0]  }
0x29: {  	s4 =	sld [smem:$0x3FB2]  }
0x2a: {  	p0 =	seq.s32 s5, $0x0;
	s5 =	sld [smem:$0x3FB3]  }
0x2b: {  	s6 =	sld [smem:$0x3FB4]  }
0x2c: {  	s7 =	sld [smem:$0x3FB5]  }
0x2d: {  	s3 =	simm.s32 $0x108;
	s8 =	sld [smem:$0x3FB6]  }
0x2e: {  	s3 =	simm.s32 @!p0 $0x1082;
	s9 =	sld [smem:$0x3FB7]  }
0x2f: {  	lr =	sadd.s32 s0, s3;
	s0 =	sld [smem:$0x3FAE]  }
0x30: {  	s3 =	sld [smem:$0x3FB1]  }
0x31: {  	[smem:$0x3FBA] =	sst s10  }
0x32: {  	s10 =	sld [smem:$0x3FB8];
	_ =	sdelay $0x3  }
0x33: {  	p0 =	seq.s32 s10, $0x1;
	s10 =	sld [smem:$0x3FBA];
	_ =	sdelay $0x3  }
0x34: {  	[smem:$0x3FBA] =	sst s10  }
0x35: {  	s10 =	sld [smem:$0x3FB9];
	_ =	sdelay $0x3  }
0x36: {  	p1 =	seq.s32 s10, $0x1;
	s10 =	sld [smem:$0x3FBA];
	_ =	sdelay $0x3  }
0x37: {  	[smem:$0x3FBA] =	sst s10  }
0x38: {  	s10 =	sld [smem:$0x3FBB]  }
0x39: {  	_ = 	snop;
	(pc) =	sbr.ind lr, $3  }
0x3a: {  	_ = 	snop  }
0x3b: {  	_ = 	snop  }
0x3c: {  	p2 =	seq.s32 s10, $0x1;
	s10 =	sld [smem:$0x3FBA]  }
0x3d: {  	_ =	shalt  }
0x3e: {  	_ =	shalt  }
0x3f: {  	_ =	shalt  }
0x40: {  	_ =	shalt  }
0x41: {  	_ =	shalt  }
0x42: {  	_ =	shalt  }
0x43: {  	_ =	shalt  }
0x44: {  	_ =	shalt  }
0x45: {  	_ =	shalt  }
0x46: {  	_ =	shalt  }
0x47: {  	_ =	shalt  }
0x48: {  	_ =	shalt  }
0x49: {  	_ =	shalt  }
0x4a: {  	_ =	shalt  }
0x4b: {  	_ =	shalt  }
0x4c: {  	_ =	shalt  }
0x4d: {  	_ =	shalt  }
0x4e: {  	_ =	shalt  }
0x4f: {  	_ =	shalt  }
0x50: {  	_ =	shalt  }
0x51: {  	_ =	shalt  }
0x52: {  	_ =	shalt  }
0x53: {  	_ =	shalt  }
0x54: {  	_ =	shalt  }
0x55: {  	_ =	shalt  }
0x56: {  	_ =	shalt  }
0x57: {  	_ =	shalt  }
0x58: {  	_ =	shalt  }
0x59: {  	_ =	shalt  }
0x5a: {  	_ =	shalt  }
0x5b: {  	_ =	shalt  }
0x5c: {  	_ =	shalt  }
0x5d: {  	_ =	shalt  }
0x5e: {  	_ =	shalt  }
0x5f: {  	_ =	shalt  }
0x60: {  	_ =	shalt  }
0x61: {  	_ =	shalt  }
0x62: {  	_ =	shalt  }
0x63: {  	_ =	shalt  }
0x64: {  	_ =	shalt  }
0x65: {  	_ =	shalt  }
0x66: {  	_ =	shalt  }
0x67: {  	_ =	shalt  }
0x68: {  	_ =	shalt  }
0x69: {  	_ =	shalt  }
0x6a: {  	_ =	shalt  }
0x6b: {  	_ =	shalt  }
0x6c: {  	_ =	shalt  }
0x6d: {  	_ =	shalt  }
0x6e: {  	_ =	shalt  }
0x6f: {  	_ =	shalt  }
0x70: {  	_ =	shalt  }
0x71: {  	_ =	shalt  }
0x72: {  	_ =	shalt  }
0x73: {  	_ =	shalt  }
0x74: {  	_ =	shalt  }
0x75: {  	_ =	shalt  }
0x76: {  	_ =	shalt  }
0x77: {  	_ =	shalt  }
0x78: {  	_ =	shalt  }
0x79: {  	_ =	shalt  }
0x7a: {  	_ =	shalt  }
0x7b: {  	_ =	shalt  }
0x7c: {  	_ =	shalt  }
0x7d: {  	_ =	shalt  }
0x7e: {  	_ =	shalt  }
0x7f: {  	_ =	shalt  }
0x80: {  	_ =	shalt  }
0x81: {  	_ =	shalt  }
0x82: {  	_ =	shalt  }
0x83: {  	_ =	shalt  }
0x84: {  	_ =	shalt  }
0x85: {  	_ =	shalt  }
0x86: {  	_ =	shalt  }
0x87: {  	_ =	shalt  }
.Lfunc_end0:
.L_simem_size_0:
called_computation_lowered:
.L_overlay_start_0:
0x88: {  	s2 =	sld [smem:$0x3FD9]  }
0x89: {  	s3 =	sld [smem:$0x3FFE];
	_ =	sdelay $0x1  }
0x8a: {  	s1 =	srdreg.scid  }
0x8b: {  	s0 =	sand.u32 $0x1, s1  }
0x8c: {  	s17 =	sshll.u32 s0, $0xA;
	s2 =	sadd.s32 s3, s2  }
0x8d: {  	s2 =	sadd.s32 s2, s17  }
0x8e: {  	[smem:$0x3FC6] =	sst s2  }
0x8f: {  	_ = 	snop  }
0x90: {  	s2 =	sld [smem:$0x3FC8]  }
0x91: {  	s18 =	sld [smem:$0x3FD0];
	(tm) =	ssettm $0x1  }
0x92: {  	s4 =	sld [smem:$0x3FFB];
	_ =	sdelay $0x3  }
0x93: {  	_ =	strace s4  }
0x94: {  	s4 =	sld [smem:$0x3FFC];
	_ =	sdelay $0x3  }
0x95: {  	_ =	strace s4  }
0x96: {  	s4 =	sld [smem:$0x3FFD];
	_ =	sdelay $0x3  }
0x97: {  	_ =	strace s4  }
0x98: {  	_ =	strace $0x8FFFFFFF  }
0x99: {  	s19 =	sld [smem:$0x3FDB];
	_ =	sdelay $0x1  }
0x9a: {  	s5 =	simm.s32 $_scs_section_size  }
0x9b: {  	s6 =	simm.s32 $_size__tile_overlayer_lowered;
	s7 =	simm.s32 $_tile_overlayer_lowered  }
0x9c: {  	s22 =	simm.s32 $0x1BFF;
	s21 =	sshll.u32 s7, $0x1;
	s4 =	sadd.s32 s5, s19  }
0x9d: {  	s8 =	simm.s32 $0x0;
	s20 =	sshll.u32 s6, $0x1;
	s6 =	sadd.s32 s21, s4  }
0x9e: {  	[timem:s8], [sflag:s22] =	dma.local [hbm:s6], s20  }
0x9f: {  	_ =	swait.ge [sflag:s22], s20  }
0xa0: {  	s5 =	ssub.s32 $0x0, s20;
	[sflag:s22] =	ssyncset.done $0x0  }
0xa1: {  	[sflag:s22] =	ssyncadd.s32 s5;
	_ =	sdelay $0x1  }
0xa2: {  	s23 =	simm.s32 $0x1B8B  }
0xa3: {  	_ =	swait.ge [sflag:s23], $0x1  }
0xa4: {  	[sflag:s23] =	ssyncset.done $0x0  }
0xa5: {  	s25 =	simm.s32 $0x1B8E;
	s24 =	sld [smem:$0x3FFE];
	[sflag:s23] =	ssyncadd.s32 $0xFFFFFFFF  }
0xa6: {  	s26 =	simm.s32 $execute0_lowered;
	[smem:$0x3FD2] =	sst s25  }
0xa7: {  	s6 =	sshll.u32 s26, $0x1;
	_ =	strace $0x80000046;
	[dreg:$0x1] =	wrdreg $0xFFFFFFFF  }
0xa8: {  	s28 =	simm.s32 $_size_execute0_lowered;
	s4 =	sadd.s32 s4, s6;
	[dreg:$0x0] =	wrdreg $0x0  }
0xa9: {  	s6 =	sshll.u32 s28, $0x1;
	[dreg:$0x2] =	wrdreg s4  }
0xaa: {  	[dreg:$0x3] =	wrdreg s6  }
0xab: {  	[dreg:$0x4] =	wrdreg $0xC0  }
0xac: {  	_ =	task [dreg:s8], $0x5FFFF  }
0xad: {  	[dreg:$0x1] =	wrdreg $0xFFFFFFFF  }
0xae: {  	[dreg:$0x0] =	wrdreg $0x60  }
0xaf: {  	[dreg:$0x2] =	wrdreg s24  }
0xb0: {  	[dreg:$0x3] =	wrdreg s2  }
0xb1: {  	[dreg:$0x4] =	wrdreg s18  }
0xb2: {  	[dreg:$0x5] =	wrdreg $0x9  }
0xb3: {  	_ =	task.clear_ibuf [dreg:s8], $0x6FFFF;
	_ =	strace $0x90000046  }
0xb4: {  	s29 =	simm.s32 $0x9;
	_ =	strace $0x80000048  }
0xb5: {  	_ =	swait.ge [sflag:s29], $0x1  }
0xb6: {  	[sflag:s29] =	ssyncadd.s32 $0xFFFFFFFF  }
0xb7: {  	_ =	strace $0x90000048  }
0xb8: {  	_ =	sfence  }
0xb9: {  	s30 =	sld [smem:$0x0];
	_ =	sdelay $0x2  }
0xba: {  	s31 =	sshll.u32 s1, $0xD;
	s1 =	sshrl.u32 s1, $0x2  }
0xbb: {  	s3 =	sand.u32 $0x4000, s31;
	s1 =	sadd.s32 s1, s30  }
0xbc: {  	s0 =	sor.u32 s3, s0;
	s1 =	sshll.u32 s1, $0x11  }
0xbd: {  	s0 =	sor.u32 s1, s0  }
0xbe: {  	s0 =	sadd.s32 $0x8F2B, s0  }
0xbf: {  	[sflag:s0] =	ssyncadd.remote.s32 $0x1  }
0xc0: {  	_ =	sfence.sel $0xFFFF  }
0xc1: {  	[dreg:$0x0] =	wrdreg $0xFFFFFFFF;
	(pc) =	sbr.abs _section_cstart, $3  }
0xc2: {  	[dreg:$0x1] =	wrdreg $0xFFFFFFFF  }
0xc3: {  	_ =	task.clear_ibuf [dreg:s8], $0x2FFFF;
	_ =	strace $0x9FFFFFFF  }
0xc4: {  	(tm) =	ssettm $0x7FFFFFFF  }
0xc5: {  	_ =	shalt  }
tec
execute0_lowered:
.L_overlay_start_1:
0x0: {  	(tag) =	ssettag $0x1  }
0x1: {  	s0 =	rddreg [dreg:$0x0]  }
0x2: {  	s2 =	rddreg [dreg:$0x1]  }
0x3: {  	s1 =	rddreg [dreg:$0x2]  }
0x4: {  	s3 =	srdreg.scid;
	s21 =	stileid.u32;
	s22 =	simm.s32 $0x4  }
0x5: {  	s23 =	simm.s32 $0x400;
	s31 =	simm.s32 $0x8400;
	s30 =	simm.s32 $0x1  }
0x6: {  	s4 =	sand.u32 $0x1, s3;
	s3 =	simm.s32 $0x0;
	s5 =	sshll.u32 s21, $0x8  }
0x7: {  	s7 =	sadd.s32 $0x300, s2;
	s8 =	sadd.s32 $0x400, s2;
	s9 =	sadd.s32 $0x500, s2  }
0x8: {  	s10 =	sadd.s32 $0x600, s2;
	s11 =	sadd.s32 $0x700, s2;
	s12 =	sadd.s32 $0x800, s2  }
0x9: {  	s13 =	sadd.s32 $0x900, s2;
	s14 =	sadd.s32 $0xA00, s2;
	s15 =	sadd.s32 $0xB00, s2  }
0xa: {  	s16 =	sadd.s32 $0xC00, s2;
	s17 =	sadd.s32 $0xD00, s2;
	s18 =	sadd.s32 $0xE00, s2  }
0xb: {  	s19 =	sadd.s32 $0xF00, s2;
	s26 =	sshll.u32 s21, $0x14;
	s6 =	sshll.u32 s4, $0x7  }
0xc: {  	[smem:$0x7FF] =	sst s3;
	s24 =	ssub.s32 $0x2, s4;
	s29 =	sshll.u32 s4, $0x13  }
0xd: {  	s5 =	sor.u32 s6, s5;
	_ =	strace $0x80000047;
	s25 =	sshrl.u32 s24, $0x1  }
.Ltmp0:
0xe: {  	s6 =	sadd.s32 $0x200, s2;
	s0 =	sadd.s32 s5, s0;
	(pc) =	sbr.rel .LBB2_1-.Ltmp0, $4  }
0xf: {  	s20 =	ssub.s32 s24, s25;
	s5 =	sadd.s32 $0x100, s2;
	s0 =	sadd.s32 $0x400, s0  }
0x10: {  	v0 =	vlaneseq.u32;
	s24 =	simm.s32 $0x10400;
	s20 =	smax.u32 s20, $0x1;
	[dreg:$0x4] =	wrdreg s0  }
0x11: {  	v1 =	vshrl.u32 v0, $0x3;
	s25 =	simm.s32 $0x0;
	[dreg:$0x5] =	wrdreg s20;
	s0 =	sadd.s32 s26, s1  }
0x12: {  	vm0 =	vmmov $0xffff;
	v0 =	vand.u32 $0x7, v0;
	v1 =	vmul.u32 $0x8, v1;
	s1 =	simm.s32 $0x3;
	s28 =	sadd.s32 s29, s0;
	s0 =	simm.s32 $0x2  }
.LBB2_8:
0x13: {  	s25 =	sadd.s32 $0x1, s25;
	s4 =	rddreg [dreg:$0x5]  }
0x14: {  	p0 =	sne.s32 s25, s4  }
.Ltmp1:
0x15: {  	_ = 	snop;
	(pc) =	sbr.rel @!p0 .LBB2_9-.Ltmp1, $1  }
0x16: {  	_ =	sdelay $0x3  }
.LBB2_1:
0x17: {  	s4 =	rddreg [dreg:$0x4]  }
0x18: {  	[tilespmem:s3], [sflag:$0x4] =	stream.linear.gather [hbm4b:s4+s3], $0x400, $0x38;
	[tilespmem:$0x18400] =	vst v63  }
0x19: {  	_ =	swait.ge [sflag:s22], $0x400  }
0x1a: {  	[sflag:s22] =	ssyncset.done $0x0  }
0x1b: {  	[sflag:s22] =	ssyncadd.s32 $0xFFFFFC00  }
0x1c: {  	v2 =	vld.msk [tilespmem:$0x0], $0xff;
	_ =	sdelay $0x4  }
0x1d: {  	v3 =	vshll.u32 v2, $0x5  }
0x1e: {  	v2 =	vand.u32 $0x7, v2;
	v3 =	vand.u32 $0xFFFFFF00, v3  }
0x1f: {  	v2 =	vor.u32 v2, v3  }
0x20: {  	v2 =	vperm.xlane v2, v0;
	_ =	sdelay $0x1  }
0x21: {  	v2 =	vadd.s32 v1, v2;
	_ =	sdelay $0x4  }
0x22: {  	[tilespmem:s23], [sflag:$0x1] =	stream.indirect_vreg.gather [hbm4b:s2+s3], $0x80, v2, vm0, $0xb8;
	[tilespmem:$0x18400] =	vst v63  }
0x23: {  	s20 =	simm.s32 $0xC00  }
0x24: {  	[tilespmem:s20], [sflag:$0x1] =	stream.indirect_vreg.gather [hbm4b:s5+s3], $0x80, v2, vm0, $0xb8;
	[tilespmem:$0x18400] =	vst v63  }
0x25: {  	s21 =	simm.s32 $0x1400  }
0x26: {  	[tilespmem:s21], [sflag:$0x1] =	stream.indirect_vreg.gather [hbm4b:s6+s3], $0x80, v2, vm0, $0xb8;
	[tilespmem:$0x18400] =	vst v63  }
0x27: {  	s26 =	simm.s32 $0x1C00  }
0x28: {  	[tilespmem:s26], [sflag:$0x1] =	stream.indirect_vreg.gather [hbm4b:s7+s3], $0x80, v2, vm0, $0xb8;
	[tilespmem:$0x18400] =	vst v63  }
0x29: {  	s20 =	simm.s32 $0x2400  }
0x2a: {  	[tilespmem:s20], [sflag:$0x1] =	stream.indirect_vreg.gather [hbm4b:s8+s3], $0x80, v2, vm0, $0xb8;
	[tilespmem:$0x18400] =	vst v63  }
0x2b: {  	s21 =	simm.s32 $0x2C00  }
0x2c: {  	[tilespmem:s21], [sflag:$0x1] =	stream.indirect_vreg.gather [hbm4b:s9+s3], $0x80, v2, vm0, $0xb8;
	[tilespmem:$0x18400] =	vst v63  }
0x2d: {  	s26 =	simm.s32 $0x3400  }
0x2e: {  	[tilespmem:s26], [sflag:$0x1] =	stream.indirect_vreg.gather [hbm4b:s10+s3], $0x80, v2, vm0, $0xb8;
	[tilespmem:$0x18400] =	vst v63  }
0x2f: {  	s20 =	simm.s32 $0x3C00  }
0x30: {  	[tilespmem:s20], [sflag:$0x1] =	stream.indirect_vreg.gather [hbm4b:s11+s3], $0x80, v2, vm0, $0xb8;
	[tilespmem:$0x18400] =	vst v63  }
0x31: {  	s21 =	simm.s32 $0x4400  }
0x32: {  	[tilespmem:s21], [sflag:$0x1] =	stream.indirect_vreg.gather [hbm4b:s12+s3], $0x80, v2, vm0, $0xb8;
	[tilespmem:$0x18400] =	vst v63  }
0x33: {  	s26 =	simm.s32 $0x4C00  }
0x34: {  	[tilespmem:s26], [sflag:$0x1] =	stream.indirect_vreg.gather [hbm4b:s13+s3], $0x80, v2, vm0, $0xb8;
	[tilespmem:$0x18400] =	vst v63  }
0x35: {  	s20 =	simm.s32 $0x5400  }
0x36: {  	[tilespmem:s20], [sflag:$0x1] =	stream.indirect_vreg.gather [hbm4b:s14+s3], $0x80, v2, vm0, $0xb8;
	[tilespmem:$0x18400] =	vst v63  }
0x37: {  	s21 =	simm.s32 $0x5C00  }
0x38: {  	[tilespmem:s21], [sflag:$0x1] =	stream.indirect_vreg.gather [hbm4b:s15+s3], $0x80, v2, vm0, $0xb8;
	[tilespmem:$0x18400] =	vst v63  }
0x39: {  	s26 =	simm.s32 $0x6400  }
0x3a: {  	[tilespmem:s26], [sflag:$0x1] =	stream.indirect_vreg.gather [hbm4b:s16+s3], $0x80, v2, vm0, $0xb8;
	[tilespmem:$0x18400] =	vst v63  }
0x3b: {  	s20 =	simm.s32 $0x6C00  }
0x3c: {  	[tilespmem:s20], [sflag:$0x1] =	stream.indirect_vreg.gather [hbm4b:s17+s3], $0x80, v2, vm0, $0xb8;
	[tilespmem:$0x18400] =	vst v63  }
0x3d: {  	s21 =	simm.s32 $0x7400  }
0x3e: {  	[tilespmem:s21], [sflag:$0x1] =	stream.indirect_vreg.gather [hbm4b:s18+s3], $0x80, v2, vm0, $0xb8;
	[tilespmem:$0x18400] =	vst v63  }
0x3f: {  	s26 =	simm.s32 $0x7C00  }
0x40: {  	[tilespmem:s26], [sflag:$0x1] =	stream.indirect_vreg.gather [hbm4b:s19+s3], $0x80, v2, vm0, $0xb8;
	[tilespmem:$0x18400] =	vst v63  }
0x41: {  	v2 =	vld.msk [tilespmem:$0x8], $0xff;
	_ =	sdelay $0x4  }
0x42: {  	v3 =	vshll.u32 v2, $0x5  }
0x43: {  	v2 =	vand.u32 $0x7, v2;
	v3 =	vand.u32 $0xFFFFFF00, v3  }
0x44: {  	v2 =	vor.u32 v2, v3  }
0x45: {  	v2 =	vperm.xlane v2, v0;
	_ =	sdelay $0x1  }
0x46: {  	v2 =	vadd.s32 v1, v2;
	_ =	sdelay $0x4  }
0x47: {  	[tilespmem:s31], [sflag:$0x2] =	stream.indirect_vreg.gather [hbm4b:s2+s3], $0x80, v2, vm0, $0xb8;
	[tilespmem:$0x18400] =	vst v63  }
0x48: {  	s20 =	simm.s32 $0x8C00  }
0x49: {  	[tilespmem:s20], [sflag:$0x2] =	stream.indirect_vreg.gather [hbm4b:s5+s3], $0x80, v2, vm0, $0xb8;
	[tilespmem:$0x18400] =	vst v63  }
0x4a: {  	s21 =	simm.s32 $0x9400  }
0x4b: {  	[tilespmem:s21], [sflag:$0x2] =	stream.indirect_vreg.gather [hbm4b:s6+s3], $0x80, v2, vm0, $0xb8;
	[tilespmem:$0x18400] =	vst v63  }
0x4c: {  	s26 =	simm.s32 $0x9C00  }
0x4d: {  	[tilespmem:s26], [sflag:$0x2] =	stream.indirect_vreg.gather [hbm4b:s7+s3], $0x80, v2, vm0, $0xb8;
	[tilespmem:$0x18400] =	vst v63  }
0x4e: {  	s20 =	simm.s32 $0xA400  }
0x4f: {  	[tilespmem:s20], [sflag:$0x2] =	stream.indirect_vreg.gather [hbm4b:s8+s3], $0x80, v2, vm0, $0xb8;
	[tilespmem:$0x18400] =	vst v63  }
0x50: {  	s21 =	simm.s32 $0xAC00  }
0x51: {  	[tilespmem:s21], [sflag:$0x2] =	stream.indirect_vreg.gather [hbm4b:s9+s3], $0x80, v2, vm0, $0xb8;
	[tilespmem:$0x18400] =	vst v63  }
0x52: {  	s26 =	simm.s32 $0xB400  }
0x53: {  	[tilespmem:s26], [sflag:$0x2] =	stream.indirect_vreg.gather [hbm4b:s10+s3], $0x80, v2, vm0, $0xb8;
	[tilespmem:$0x18400] =	vst v63  }
0x54: {  	s20 =	simm.s32 $0xBC00  }
0x55: {  	[tilespmem:s20], [sflag:$0x2] =	stream.indirect_vreg.gather [hbm4b:s11+s3], $0x80, v2, vm0, $0xb8;
	[tilespmem:$0x18400] =	vst v63  }
0x56: {  	s21 =	simm.s32 $0xC400  }
0x57: {  	[tilespmem:s21], [sflag:$0x2] =	stream.indirect_vreg.gather [hbm4b:s12+s3], $0x80, v2, vm0, $0xb8;
	[tilespmem:$0x18400] =	vst v63  }
0x58: {  	s26 =	simm.s32 $0xCC00  }
0x59: {  	[tilespmem:s26], [sflag:$0x2] =	stream.indirect_vreg.gather [hbm4b:s13+s3], $0x80, v2, vm0, $0xb8;
	[tilespmem:$0x18400] =	vst v63  }
0x5a: {  	s20 =	simm.s32 $0xD400  }
0x5b: {  	[tilespmem:s20], [sflag:$0x2] =	stream.indirect_vreg.gather [hbm4b:s14+s3], $0x80, v2, vm0, $0xb8;
	[tilespmem:$0x18400] =	vst v63  }
0x5c: {  	s21 =	simm.s32 $0xDC00  }
0x5d: {  	[tilespmem:s21], [sflag:$0x2] =	stream.indirect_vreg.gather [hbm4b:s15+s3], $0x80, v2, vm0, $0xb8;
	[tilespmem:$0x18400] =	vst v63  }
0x5e: {  	s26 =	simm.s32 $0xE400  }
0x5f: {  	[tilespmem:s26], [sflag:$0x2] =	stream.indirect_vreg.gather [hbm4b:s16+s3], $0x80, v2, vm0, $0xb8;
	[tilespmem:$0x18400] =	vst v63  }
0x60: {  	s20 =	simm.s32 $0xEC00  }
0x61: {  	[tilespmem:s20], [sflag:$0x2] =	stream.indirect_vreg.gather [hbm4b:s17+s3], $0x80, v2, vm0, $0xb8;
	[tilespmem:$0x18400] =	vst v63  }
.Ltmp2:
0x62: {  	s21 =	simm.s32 $0xF400;
	(pc) =	sbr.rel .LBB2_2-.Ltmp2, $4  }
0x63: {  	[tilespmem:s21], [sflag:$0x2] =	stream.indirect_vreg.gather [hbm4b:s18+s3], $0x80, v2, vm0, $0xb8;
	[tilespmem:$0x18400] =	vst v63  }
0x64: {  	s26 =	simm.s32 $0xFC00  }
0x65: {  	[tilespmem:s26], [sflag:$0x2] =	stream.indirect_vreg.gather [hbm4b:s19+s3], $0x80, v2, vm0, $0xb8;
	[tilespmem:$0x18400] =	vst v63  }
0x66: {  	s29 =	simm.s32 $0x0;
	s21 =	smov.u32 s28;
	s26 =	simm.s32 $0x10  }
.LBB2_6:
0x67: {  	_ =	swait.ge [sflag:s30], $0x8000  }
0x68: {  	[sflag:s30] =	ssyncset.done $0x0  }
0x69: {  	p0 =	sgt.u32 s29, $0x7D;
	[sflag:s30] =	ssyncadd.s32 $0xFFFF8000  }
0x6a: {  	v2 =	vld.msk @!p0 [tilespmem:s26+$0x0], $0xff;
	_ =	sdelay $0x4  }
0x6b: {  	v3 =	vshll.u32 @!p0 v2, $0x5  }
0x6c: {  	v4 =	vlaneseq.u32 @!p0;
	v2 =	vand.u32 @!p0 $0x7, v2;
	v3 =	vand.u32 @!p0 $0xFFFFFF00, v3  }
0x6d: {  	v2 =	vor.u32 @!p0 v2, v3;
	v3 =	vand.u32 @!p0 $0x7, v4;
	v4 =	vshrl.u32 @!p0 v4, $0x3  }
0x6e: {  	v2 =	vperm.xlane @!p0 v2, v3;
	v3 =	vmul.u32 @!p0 $0x8, v4;
	_ =	sdelay $0x1  }
0x6f: {  	v2 =	vadd.s32 @!p0 v3, v2;
	_ =	sdelay $0x3  }
0x70: {  	vm1 =	vmmov @!p0 $0xffff;
	s4 =	simm.s32 @!p0 $0x0;
	s20 =	simm.s32 @!p0 $0x10400  }
0x71: {  	[tilespmem:s20], [sflag:$0x3] =	stream.indirect_vreg.gather @!p0 [hbm4b:s2+s4], $0x80, v2, vm1, $0xb8;
	[tilespmem:$0x18400] =	vst v63  }
0x72: {  	s20 =	simm.s32 @!p0 $0x10C00  }
0x73: {  	[tilespmem:s20], [sflag:$0x3] =	stream.indirect_vreg.gather @!p0 [hbm4b:s5+s4], $0x80, v2, vm1, $0xb8;
	[tilespmem:$0x18400] =	vst v63  }
0x74: {  	s20 =	simm.s32 @!p0 $0x11400  }
0x75: {  	[tilespmem:s20], [sflag:$0x3] =	stream.indirect_vreg.gather @!p0 [hbm4b:s6+s4], $0x80, v2, vm1, $0xb8;
	[tilespmem:$0x18400] =	vst v63  }
0x76: {  	s20 =	simm.s32 @!p0 $0x11C00  }
0x77: {  	[tilespmem:s20], [sflag:$0x3] =	stream.indirect_vreg.gather @!p0 [hbm4b:s7+s4], $0x80, v2, vm1, $0xb8;
	[tilespmem:$0x18400] =	vst v63  }
0x78: {  	s20 =	simm.s32 @!p0 $0x12400  }
0x79: {  	[tilespmem:s20], [sflag:$0x3] =	stream.indirect_vreg.gather @!p0 [hbm4b:s8+s4], $0x80, v2, vm1, $0xb8;
	[tilespmem:$0x18400] =	vst v63  }
0x7a: {  	s20 =	simm.s32 @!p0 $0x12C00  }
0x7b: {  	[tilespmem:s20], [sflag:$0x3] =	stream.indirect_vreg.gather @!p0 [hbm4b:s9+s4], $0x80, v2, vm1, $0xb8;
	[tilespmem:$0x18400] =	vst v63  }
0x7c: {  	s20 =	simm.s32 @!p0 $0x13400  }
0x7d: {  	[tilespmem:s20], [sflag:$0x3] =	stream.indirect_vreg.gather @!p0 [hbm4b:s10+s4], $0x80, v2, vm1, $0xb8;
	[tilespmem:$0x18400] =	vst v63  }
0x7e: {  	s20 =	simm.s32 @!p0 $0x13C00  }
0x7f: {  	[tilespmem:s20], [sflag:$0x3] =	stream.indirect_vreg.gather @!p0 [hbm4b:s11+s4], $0x80, v2, vm1, $0xb8;
	[tilespmem:$0x18400] =	vst v63  }
0x80: {  	s20 =	simm.s32 @!p0 $0x14400  }
0x81: {  	[tilespmem:s20], [sflag:$0x3] =	stream.indirect_vreg.gather @!p0 [hbm4b:s12+s4], $0x80, v2, vm1, $0xb8;
	[tilespmem:$0x18400] =	vst v63  }
0x82: {  	s20 =	simm.s32 @!p0 $0x14C00  }
0x83: {  	[tilespmem:s20], [sflag:$0x3] =	stream.indirect_vreg.gather @!p0 [hbm4b:s13+s4], $0x80, v2, vm1, $0xb8;
	[tilespmem:$0x18400] =	vst v63  }
0x84: {  	s20 =	simm.s32 @!p0 $0x15400  }
0x85: {  	[tilespmem:s20], [sflag:$0x3] =	stream.indirect_vreg.gather @!p0 [hbm4b:s14+s4], $0x80, v2, vm1, $0xb8;
	[tilespmem:$0x18400] =	vst v63  }
0x86: {  	s20 =	simm.s32 @!p0 $0x15C00  }
0x87: {  	[tilespmem:s20], [sflag:$0x3] =	stream.indirect_vreg.gather @!p0 [hbm4b:s15+s4], $0x80, v2, vm1, $0xb8;
	[tilespmem:$0x18400] =	vst v63  }
0x88: {  	s20 =	simm.s32 @!p0 $0x16400  }
0x89: {  	[tilespmem:s20], [sflag:$0x3] =	stream.indirect_vreg.gather @!p0 [hbm4b:s16+s4], $0x80, v2, vm1, $0xb8;
	[tilespmem:$0x18400] =	vst v63  }
0x8a: {  	s20 =	simm.s32 @!p0 $0x16C00  }
0x8b: {  	[tilespmem:s20], [sflag:$0x3] =	stream.indirect_vreg.gather @!p0 [hbm4b:s17+s4], $0x80, v2, vm1, $0xb8;
	[tilespmem:$0x18400] =	vst v63  }
0x8c: {  	s20 =	simm.s32 @!p0 $0x17400  }
0x8d: {  	[tilespmem:s20], [sflag:$0x3] =	stream.indirect_vreg.gather @!p0 [hbm4b:s18+s4], $0x80, v2, vm1, $0xb8;
	[tilespmem:$0x18400] =	vst v63  }
0x8e: {  	s20 =	simm.s32 @!p0 $0x17C00  }
0x8f: {  	[tilespmem:s20], [sflag:$0x3] =	stream.indirect_vreg.gather @!p0 [hbm4b:s19+s4], $0x80, v2, vm1, $0xb8;
	[tilespmem:$0x18400] =	vst v63  }
0x90: {  	s4 =	simm.s32 $0x6  }
0x91: {  	[hbm4b:s21+s3] =	stream.linear.scatter [tilespmem:s23], [sflag:$0x6], $0x8000, $0x38;
	[tilespmem:$0x18400] =	vst v63  }
.LBB2_7:
0x92: {  	s29 =	sadd.s32 $0x1, s29  }
0x93: {  	p0 =	sne.s32 s29, $0x80  }
.Ltmp3:
0x94: {  	_ = 	snop;
	(pc) =	sbr.rel @!p0 .LBB2_8-.Ltmp3, $4  }
0x95: {  	_ = 	snop  }
0x96: {  	_ =	swait.ge [sflag:s4], $0x8000  }
0x97: {  	[sflag:s4] =	ssyncset.done $0x0  }
0x98: {  	s26 =	sadd.s32 $0x8, s26;
	s21 =	sadd.s32 $0x1000, s21;
	[sflag:s4] =	ssyncadd.s32 $0xFFFF8000  }
.LBB2_2:
0x99: {  	s4 =	smul.u32 $0xAB, s29;
	_ =	sdelay $0x1  }
0x9a: {  	s4 =	sshrl.u32 s4, $0x9  }
0x9b: {  	s4 =	sand.u32 $0x7F, s4  }
0x9c: {  	s4 =	smul.u32 $0x3, s4;
	_ =	sdelay $0x1  }
0x9d: {  	s4 =	ssub.s32 s29, s4  }
0x9e: {  	s4 =	sand.u32 $0xFF, s4  }
0x9f: {  	p0 =	seq.s32 s4, $0x0  }
.Ltmp4:
0xa0: {  	_ = 	snop;
	(pc) =	sbr.rel @p0 .LBB2_6-.Ltmp4, $1  }
0xa1: {  	_ =	sdelay $0x3  }
0xa2: {  	p0 =	seq.s32 s4, $0x1  }
.Ltmp5:
0xa3: {  	_ = 	snop;
	(pc) =	sbr.rel @!p0 .LBB2_4-.Ltmp5, $1  }
0xa4: {  	_ =	sdelay $0x3  }
0xa5: {  	_ =	swait.ge [sflag:s0], $0x8000  }
0xa6: {  	[sflag:s0] =	ssyncset.done $0x0  }
0xa7: {  	p0 =	sgt.u32 s29, $0x7D;
	[sflag:s0] =	ssyncadd.s32 $0xFFFF8000  }
0xa8: {  	v2 =	vld.msk @!p0 [tilespmem:s26+$0x0], $0xff;
	_ =	sdelay $0x4  }
0xa9: {  	v3 =	vshll.u32 @!p0 v2, $0x5  }
0xaa: {  	v4 =	vlaneseq.u32 @!p0;
	v2 =	vand.u32 @!p0 $0x7, v2;
	v3 =	vand.u32 @!p0 $0xFFFFFF00, v3  }
0xab: {  	v2 =	vor.u32 @!p0 v2, v3;
	v3 =	vand.u32 @!p0 $0x7, v4;
	v4 =	vshrl.u32 @!p0 v4, $0x3  }
0xac: {  	v2 =	vperm.xlane @!p0 v2, v3;
	v3 =	vmul.u32 @!p0 $0x8, v4;
	_ =	sdelay $0x1  }
0xad: {  	v2 =	vadd.s32 @!p0 v3, v2;
	_ =	sdelay $0x3  }
0xae: {  	vm1 =	vmmov @!p0 $0xffff;
	s4 =	simm.s32 @!p0 $0x0;
	s20 =	simm.s32 @!p0 $0x400  }
0xaf: {  	[tilespmem:s20], [sflag:$0x1] =	stream.indirect_vreg.gather @!p0 [hbm4b:s2+s4], $0x80, v2, vm1, $0xb8;
	[tilespmem:$0x18400] =	vst v63  }
0xb0: {  	s20 =	simm.s32 @!p0 $0xC00  }
0xb1: {  	[tilespmem:s20], [sflag:$0x1] =	stream.indirect_vreg.gather @!p0 [hbm4b:s5+s4], $0x80, v2, vm1, $0xb8;
	[tilespmem:$0x18400] =	vst v63  }
0xb2: {  	s20 =	simm.s32 @!p0 $0x1400  }
0xb3: {  	[tilespmem:s20], [sflag:$0x1] =	stream.indirect_vreg.gather @!p0 [hbm4b:s6+s4], $0x80, v2, vm1, $0xb8;
	[tilespmem:$0x18400] =	vst v63  }
0xb4: {  	s20 =	simm.s32 @!p0 $0x1C00  }
0xb5: {  	[tilespmem:s20], [sflag:$0x1] =	stream.indirect_vreg.gather @!p0 [hbm4b:s7+s4], $0x80, v2, vm1, $0xb8;
	[tilespmem:$0x18400] =	vst v63  }
0xb6: {  	s20 =	simm.s32 @!p0 $0x2400  }
0xb7: {  	[tilespmem:s20], [sflag:$0x1] =	stream.indirect_vreg.gather @!p0 [hbm4b:s8+s4], $0x80, v2, vm1, $0xb8;
	[tilespmem:$0x18400] =	vst v63  }
0xb8: {  	s20 =	simm.s32 @!p0 $0x2C00  }
0xb9: {  	[tilespmem:s20], [sflag:$0x1] =	stream.indirect_vreg.gather @!p0 [hbm4b:s9+s4], $0x80, v2, vm1, $0xb8;
	[tilespmem:$0x18400] =	vst v63  }
0xba: {  	s20 =	simm.s32 @!p0 $0x3400  }
0xbb: {  	[tilespmem:s20], [sflag:$0x1] =	stream.indirect_vreg.gather @!p0 [hbm4b:s10+s4], $0x80, v2, vm1, $0xb8;
	[tilespmem:$0x18400] =	vst v63  }
0xbc: {  	s20 =	simm.s32 @!p0 $0x3C00  }
0xbd: {  	[tilespmem:s20], [sflag:$0x1] =	stream.indirect_vreg.gather @!p0 [hbm4b:s11+s4], $0x80, v2, vm1, $0xb8;
	[tilespmem:$0x18400] =	vst v63  }
0xbe: {  	s20 =	simm.s32 @!p0 $0x4400  }
0xbf: {  	[tilespmem:s20], [sflag:$0x1] =	stream.indirect_vreg.gather @!p0 [hbm4b:s12+s4], $0x80, v2, vm1, $0xb8;
	[tilespmem:$0x18400] =	vst v63  }
0xc0: {  	s20 =	simm.s32 @!p0 $0x4C00  }
0xc1: {  	[tilespmem:s20], [sflag:$0x1] =	stream.indirect_vreg.gather @!p0 [hbm4b:s13+s4], $0x80, v2, vm1, $0xb8;
	[tilespmem:$0x18400] =	vst v63  }
0xc2: {  	s20 =	simm.s32 @!p0 $0x5400  }
0xc3: {  	[tilespmem:s20], [sflag:$0x1] =	stream.indirect_vreg.gather @!p0 [hbm4b:s14+s4], $0x80, v2, vm1, $0xb8;
	[tilespmem:$0x18400] =	vst v63  }
0xc4: {  	s20 =	simm.s32 @!p0 $0x5C00  }
0xc5: {  	[tilespmem:s20], [sflag:$0x1] =	stream.indirect_vreg.gather @!p0 [hbm4b:s15+s4], $0x80, v2, vm1, $0xb8;
	[tilespmem:$0x18400] =	vst v63  }
0xc6: {  	s20 =	simm.s32 @!p0 $0x6400  }
0xc7: {  	[tilespmem:s20], [sflag:$0x1] =	stream.indirect_vreg.gather @!p0 [hbm4b:s16+s4], $0x80, v2, vm1, $0xb8;
	[tilespmem:$0x18400] =	vst v63  }
0xc8: {  	s20 =	simm.s32 @!p0 $0x6C00  }
0xc9: {  	[tilespmem:s20], [sflag:$0x1] =	stream.indirect_vreg.gather @!p0 [hbm4b:s17+s4], $0x80, v2, vm1, $0xb8;
	[tilespmem:$0x18400] =	vst v63  }
0xca: {  	s20 =	simm.s32 @!p0 $0x7400  }
0xcb: {  	[tilespmem:s20], [sflag:$0x1] =	stream.indirect_vreg.gather @!p0 [hbm4b:s18+s4], $0x80, v2, vm1, $0xb8;
	[tilespmem:$0x18400] =	vst v63  }
.Ltmp6:
0xcc: {  	_ = 	snop;
	(pc) =	sbr.rel .LBB2_7-.Ltmp6, $4  }
0xcd: {  	s20 =	simm.s32 @!p0 $0x7C00  }
0xce: {  	[tilespmem:s20], [sflag:$0x1] =	stream.indirect_vreg.gather @!p0 [hbm4b:s19+s4], $0x80, v2, vm1, $0xb8;
	[tilespmem:$0x18400] =	vst v63  }
0xcf: {  	s4 =	simm.s32 $0x5  }
0xd0: {  	[hbm4b:s21+s3] =	stream.linear.scatter [tilespmem:s31], [sflag:$0x5], $0x8000, $0x38;
	[tilespmem:$0x18400] =	vst v63  }
.LBB2_4:
0xd1: {  	_ =	swait.ge [sflag:s1], $0x8000  }
0xd2: {  	[sflag:s1] =	ssyncset.done $0x0  }
0xd3: {  	p0 =	sgt.u32 s29, $0x7D;
	[sflag:s1] =	ssyncadd.s32 $0xFFFF8000  }
0xd4: {  	v2 =	vld.msk @!p0 [tilespmem:s26+$0x0], $0xff;
	_ =	sdelay $0x4  }
0xd5: {  	v3 =	vshll.u32 @!p0 v2, $0x5  }
0xd6: {  	v4 =	vlaneseq.u32 @!p0;
	v2 =	vand.u32 @!p0 $0x7, v2;
	v3 =	vand.u32 @!p0 $0xFFFFFF00, v3  }
0xd7: {  	v2 =	vor.u32 @!p0 v2, v3;
	v3 =	vand.u32 @!p0 $0x7, v4;
	v4 =	vshrl.u32 @!p0 v4, $0x3  }
0xd8: {  	v2 =	vperm.xlane @!p0 v2, v3;
	v3 =	vmul.u32 @!p0 $0x8, v4;
	_ =	sdelay $0x1  }
0xd9: {  	v2 =	vadd.s32 @!p0 v3, v2;
	_ =	sdelay $0x3  }
0xda: {  	vm1 =	vmmov @!p0 $0xffff;
	s4 =	simm.s32 @!p0 $0x0;
	s20 =	simm.s32 @!p0 $0x8400  }
0xdb: {  	[tilespmem:s20], [sflag:$0x2] =	stream.indirect_vreg.gather @!p0 [hbm4b:s2+s4], $0x80, v2, vm1, $0xb8;
	[tilespmem:$0x18400] =	vst v63  }
0xdc: {  	s20 =	simm.s32 @!p0 $0x8C00  }
0xdd: {  	[tilespmem:s20], [sflag:$0x2] =	stream.indirect_vreg.gather @!p0 [hbm4b:s5+s4], $0x80, v2, vm1, $0xb8;
	[tilespmem:$0x18400] =	vst v63  }
0xde: {  	s20 =	simm.s32 @!p0 $0x9400  }
0xdf: {  	[tilespmem:s20], [sflag:$0x2] =	stream.indirect_vreg.gather @!p0 [hbm4b:s6+s4], $0x80, v2, vm1, $0xb8;
	[tilespmem:$0x18400] =	vst v63  }
0xe0: {  	s20 =	simm.s32 @!p0 $0x9C00  }
0xe1: {  	[tilespmem:s20], [sflag:$0x2] =	stream.indirect_vreg.gather @!p0 [hbm4b:s7+s4], $0x80, v2, vm1, $0xb8;
	[tilespmem:$0x18400] =	vst v63  }
0xe2: {  	s20 =	simm.s32 @!p0 $0xA400  }
0xe3: {  	[tilespmem:s20], [sflag:$0x2] =	stream.indirect_vreg.gather @!p0 [hbm4b:s8+s4], $0x80, v2, vm1, $0xb8;
	[tilespmem:$0x18400] =	vst v63  }
0xe4: {  	s20 =	simm.s32 @!p0 $0xAC00  }
0xe5: {  	[tilespmem:s20], [sflag:$0x2] =	stream.indirect_vreg.gather @!p0 [hbm4b:s9+s4], $0x80, v2, vm1, $0xb8;
	[tilespmem:$0x18400] =	vst v63  }
0xe6: {  	s20 =	simm.s32 @!p0 $0xB400  }
0xe7: {  	[tilespmem:s20], [sflag:$0x2] =	stream.indirect_vreg.gather @!p0 [hbm4b:s10+s4], $0x80, v2, vm1, $0xb8;
	[tilespmem:$0x18400] =	vst v63  }
0xe8: {  	s20 =	simm.s32 @!p0 $0xBC00  }
0xe9: {  	[tilespmem:s20], [sflag:$0x2] =	stream.indirect_vreg.gather @!p0 [hbm4b:s11+s4], $0x80, v2, vm1, $0xb8;
	[tilespmem:$0x18400] =	vst v63  }
0xea: {  	s20 =	simm.s32 @!p0 $0xC400  }
0xeb: {  	[tilespmem:s20], [sflag:$0x2] =	stream.indirect_vreg.gather @!p0 [hbm4b:s12+s4], $0x80, v2, vm1, $0xb8;
	[tilespmem:$0x18400] =	vst v63  }
0xec: {  	s20 =	simm.s32 @!p0 $0xCC00  }
0xed: {  	[tilespmem:s20], [sflag:$0x2] =	stream.indirect_vreg.gather @!p0 [hbm4b:s13+s4], $0x80, v2, vm1, $0xb8;
	[tilespmem:$0x18400] =	vst v63  }
0xee: {  	s20 =	simm.s32 @!p0 $0xD400  }
0xef: {  	[tilespmem:s20], [sflag:$0x2] =	stream.indirect_vreg.gather @!p0 [hbm4b:s14+s4], $0x80, v2, vm1, $0xb8;
	[tilespmem:$0x18400] =	vst v63  }
0xf0: {  	s20 =	simm.s32 @!p0 $0xDC00  }
0xf1: {  	[tilespmem:s20], [sflag:$0x2] =	stream.indirect_vreg.gather @!p0 [hbm4b:s15+s4], $0x80, v2, vm1, $0xb8;
	[tilespmem:$0x18400] =	vst v63  }
0xf2: {  	s20 =	simm.s32 @!p0 $0xE400  }
0xf3: {  	[tilespmem:s20], [sflag:$0x2] =	stream.indirect_vreg.gather @!p0 [hbm4b:s16+s4], $0x80, v2, vm1, $0xb8;
	[tilespmem:$0x18400] =	vst v63  }
0xf4: {  	s20 =	simm.s32 @!p0 $0xEC00  }
0xf5: {  	[tilespmem:s20], [sflag:$0x2] =	stream.indirect_vreg.gather @!p0 [hbm4b:s17+s4], $0x80, v2, vm1, $0xb8;
	[tilespmem:$0x18400] =	vst v63  }
0xf6: {  	s20 =	simm.s32 @!p0 $0xF400  }
0xf7: {  	[tilespmem:s20], [sflag:$0x2] =	stream.indirect_vreg.gather @!p0 [hbm4b:s18+s4], $0x80, v2, vm1, $0xb8;
	[tilespmem:$0x18400] =	vst v63  }
.Ltmp7:
0xf8: {  	_ = 	snop;
	(pc) =	sbr.rel .LBB2_7-.Ltmp7, $4  }
0xf9: {  	s20 =	simm.s32 @!p0 $0xFC00  }
0xfa: {  	[tilespmem:s20], [sflag:$0x2] =	stream.indirect_vreg.gather @!p0 [hbm4b:s19+s4], $0x80, v2, vm1, $0xb8;
	[tilespmem:$0x18400] =	vst v63  }
0xfb: {  	s4 =	simm.s32 $0x4  }
0xfc: {  	[hbm4b:s21+s3] =	stream.linear.scatter [tilespmem:s24], [sflag:$0x4], $0x8000, $0x38;
	[tilespmem:$0x18400] =	vst v63  }
.LBB2_9:
0xfd: {  	_ =	sfence.sel $0x180000  }
0xfe: {  	[bflag:$0x0] =	sbarrier.arrive $0xFFFF  }
0xff: {  	_ =	strace $0x90000047  }
0x100: {  	s0 =	stileid.u32;
	[bflag:$0x2] =	sbarrier.arrive $0xFFFF  }
0x101: {  	p0 =	sne.s32 s0, $0x0;
	s0 =	rddreg [dreg:$0x3]  }
0x102: {  	s0 =	sadd.s32 @!p0 $0x100000, s0  }
0x103: {  	[sflag:s0] =	ssyncadd.tile.s32 @!p0 $0x1;
	_ =	shalt  }
.Lfunc_end2:
_tile_overlayer_lowered:
.L_overlay_start_2:
0x104: {  	(tag) =	ssettag $0x2  }
0x105: {  	s0 =	rddreg [dreg:$0x0];
	s2 =	stileid.u32  }
0x106: {  	s1 =	rddreg [dreg:$0x1];
	p0 =	sne.s32 s2, $0x0  }
0x107: {  	s3 =	rddreg [dreg:$0x2];
	[bflag:$0x3] =	sbarrier.arrive $0xFFFF;
	s2 =	simm.s32 @!p0 $0x1C04  }
0x108: {  	[timem:s3], [sflag:s2] =	dma.local @!p0 [hbm:s0], s1  }
0x109: {  	s0 =	simm.s32 @!p0 $0x4  }
0x10a: {  	_ =	swait.ge @!p0 [sflag:s0], s1  }
0x10b: {  	s1 =	ssub.s32 @!p0 $0x0, s1;
	[sflag:s0] =	ssyncset.done @!p0 $0x0  }
0x10c: {  	[sflag:s0] =	ssyncadd.s32 @!p0 s1  }
0x10d: {  	[bflag:$0x3] =	sbarrier.arrive $0xFFFF  }
0x10e: {  	_ =	shalt  }

</sc_bundles>
